<compile_context>
chip_gen: v7x
topology: tpu7x:2x2x1
jax: 0.10.2.dev20260603
libtpu: 0.0.44.dev20260713+nightly
codegen_flags: <defaults>
</compile_context>

<pallas_src>
import functools

import jax
import jax.numpy as jnp
from jax.experimental import pallas as pl
from jax.experimental.pallas import tpu as pltpu

_SIGMA = 0.5
_TOPK = 100
_B = 512


def _decay_body(x1r, y1r, x2r, y2r, ar,
                x1c, y1c, x2c, y2c, ac, sc,
                out_ref, acc_ref, *, nb):
    i = pl.program_id(0)
    jb = pl.program_id(1)

    @pl.when(jb == 0)
    def _init():
        acc_ref[...] = jnp.zeros_like(acc_ref)

    @pl.when(jb <= i)
    def _tile():
        xi1, yi1, xi2, yi2, ai = x1c[...], y1c[...], x2c[...], y2c[...], ac[...]
        xj1 = x1r[0]
        yj1 = y1r[0]
        xj2 = x2r[0]
        yj2 = y2r[0]
        aj = ar[0]
        xx1 = jnp.maximum(xi1, xj1)
        yy1 = jnp.maximum(yi1, yj1)
        xx2 = jnp.minimum(xi2, xj2)
        yy2 = jnp.minimum(yi2, yj2)
        iw = jnp.maximum(xx2 - xx1, 0.0)
        ih = jnp.maximum(yy2 - yy1, 0.0)
        inter = iw * ih
        union = jnp.maximum(ai + aj - inter, 1e-9)
        iou = inter / union
        gi = i * _B + jax.lax.broadcasted_iota(jnp.int32, (_B, 1), 0)
        gj = jb * _B + jax.lax.broadcasted_iota(jnp.int32, (1, _B), 1)
        d = jnp.where(gj < gi, iou * iou, 0.0)
        acc_ref[...] += jnp.sum(d, axis=1, keepdims=True)

    @pl.when(jb == nb - 1)
    def _epilogue():
        out_ref[...] = sc[...] * jnp.exp(-acc_ref[...] / _SIGMA)


def _decayed_scores(b, s, M):
    nb = M // _B
    x1 = b[:, 0]
    y1 = b[:, 1]
    x2 = b[:, 2]
    y2 = b[:, 3]
    areas = jnp.maximum(x2 - x1, 0.0) * jnp.maximum(y2 - y1, 0.0)

    def rows(v):
        return v.reshape(nb, 1, _B)

    def cols(v):
        return v.reshape(M, 1)

    row_spec = pl.BlockSpec((1, 1, _B), lambda i, j: (j, 0, 0))
    col_spec = pl.BlockSpec((_B, 1), lambda i, j: (i, 0))

    out = pl.pallas_call(
        functools.partial(_decay_body, nb=nb),
        grid=(nb, nb),
        in_specs=[row_spec] * 5 + [col_spec] * 6,
        out_specs=pl.BlockSpec((_B, 1), lambda i, j: (i, 0)),
        out_shape=jax.ShapeDtypeStruct((M, 1), jnp.float32),
        scratch_shapes=[pltpu.VMEM((_B, 1), jnp.float32)],
    )(rows(x1), rows(y1), rows(x2), rows(y2), rows(areas),
      cols(x1), cols(y1), cols(x2), cols(y2), cols(areas), s)
    return out[:, 0]


def kernel(boxes, scores):
    N = scores.shape[0]
    M = ((N + _B - 1) // _B) * _B
    order = jnp.argsort(-scores)
    b = boxes[order]
    s = scores[order]
    pad = M - N
    b_p = jnp.pad(b, ((0, pad), (0, 0)))
    s_p = jnp.pad(s, (0, pad), constant_values=-1.0).reshape(M, 1)
    s_dec = _decayed_scores(b_p, s_p, M)[:N]
    vals, idx = jax.lax.top_k(s_dec, _TOPK)
    return jnp.concatenate([b[idx], vals[:, None]], axis=1)

# --- scband reference (transcript-rebuilt; emitter-appended) ---
"""Pipeline reference for scband-rfcndetector-68573447848542 (READ-ONLY COPY).

The authoritative reference and input builder live on the scoring server;
editing this copy changes nothing except your own understanding.
"""

import jax, jax.numpy as jnp
import numpy as np

SIGMA = 0.5
TOPK = 100

def setup_inputs(seed: int = 0) -> dict:
    key = jax.random.key(seed)
    k1, k2 = jax.random.split(key, 2)
    N = 5000
    # boxes in [x1, y1, x2, y2] format scaled to an 800x1200 image
    cxcy = jax.random.uniform(k1, (N, 2), dtype=jnp.float32) * jnp.array([1200.0, 800.0], dtype=jnp.float32)
    wh = jax.random.uniform(jax.random.fold_in(k1, 1), (N, 2), dtype=jnp.float32) * 150.0 + 4.0
    boxes = jnp.concatenate([cxcy - wh / 2.0, cxcy + wh / 2.0], axis=1).astype(jnp.float32)
    scores = jax.random.uniform(k2, (N,), dtype=jnp.float32)
    return {"boxes": boxes, "scores": scores}


def reference(boxes, scores):
    # Faithful jax version of the RFCNDetector detect/postprocess pipeline core:
    # sort detections by score descending, apply Gaussian soft-NMS score decay
    # (softNMS=True in the module), then return top-scoring detections as
    # [x1, y1, x2, y2, score] rows sorted by decayed score (th.argsort descending).
    N = scores.shape[0]
    order = jnp.argsort(-scores)  # descending score order
    b = boxes[order]
    s = scores[order]

    x1, y1, x2, y2 = b[:, 0], b[:, 1], b[:, 2], b[:, 3]
    areas = jnp.maximum(x2 - x1, 0.0) * jnp.maximum(y2 - y1, 0.0)

    xx1 = jnp.maximum(x1[:, None], x1[None, :])
    yy1 = jnp.maximum(y1[:, None], y1[None, :])
    xx2 = jnp.minimum(x2[:, None], x2[None, :])
    yy2 = jnp.minimum(y2[:, None], y2[None, :])
    iw = jnp.maximum(xx2 - xx1, 0.0)
    ih = jnp.maximum(yy2 - yy1, 0.0)
    inter = iw * ih
    union = areas[:, None] + areas[None, :] - inter
    iou = inter / jnp.maximum(union, 1e-9)

    # Gaussian soft-NMS in matrix form: each box i is decayed by all
    # higher-scored boxes j < i (strict lower triangle after sorting).
    tri = jnp.tril(jnp.ones((N, N), dtype=jnp.float32), k=-1)
    decay = jnp.where(tri > 0.0, jnp.exp(-(iou ** 2) / SIGMA), 1.0)
    decay_factor = jnp.prod(decay, axis=1)
    s_dec = s * decay_factor

    vals, idx = jax.lax.top_k(s_dec, TOPK)
    dets = jnp.concatenate([b[idx], vals[:, None]], axis=1)
    return dets

if __name__ == "__main__":
    import jax
    _d = setup_inputs()
    print(jax.jit(kernel)(*tuple(_d.values())))

</pallas_src>

<mosaic_0001>
module attributes {stable_mosaic.version = 14 : i64} {
  func.func @_decay_body(%arg0: i32, %arg1: i32, %arg2: memref<1x1x512xf32, #tpu.memory_space<vmem>>, %arg3: memref<1x1x512xf32, #tpu.memory_space<vmem>>, %arg4: memref<1x1x512xf32, #tpu.memory_space<vmem>>, %arg5: memref<1x1x512xf32, #tpu.memory_space<vmem>>, %arg6: memref<1x1x512xf32, #tpu.memory_space<vmem>>, %arg7: memref<512x1xf32, #tpu.memory_space<vmem>>, %arg8: memref<512x1xf32, #tpu.memory_space<vmem>>, %arg9: memref<512x1xf32, #tpu.memory_space<vmem>>, %arg10: memref<512x1xf32, #tpu.memory_space<vmem>>, %arg11: memref<512x1xf32, #tpu.memory_space<vmem>>, %arg12: memref<512x1xf32, #tpu.memory_space<vmem>>, %arg13: memref<512x1xf32, #tpu.memory_space<vmem>>, %arg14: memref<512x1xf32, #tpu.memory_space<vmem>>) attributes {dimension_semantics = [#tpu.dimension_semantics<arbitrary>, #tpu.dimension_semantics<arbitrary>], iteration_bounds = array<i64: 10, 10>, scalar_prefetch = 0 : i64, scratch_operands = 1 : i64, tpu.core_type = #tpu.core_type<tc>, window_params = [{transform_indices = @transform_0, window_bounds = array<i64: 1, 1, 512>}, {transform_indices = @transform_1, window_bounds = array<i64: 1, 1, 512>}, {transform_indices = @transform_2, window_bounds = array<i64: 1, 1, 512>}, {transform_indices = @transform_3, window_bounds = array<i64: 1, 1, 512>}, {transform_indices = @transform_4, window_bounds = array<i64: 1, 1, 512>}, {transform_indices = @transform_5, window_bounds = array<i64: 512, 1>}, {transform_indices = @transform_6, window_bounds = array<i64: 512, 1>}, {transform_indices = @transform_7, window_bounds = array<i64: 512, 1>}, {transform_indices = @transform_8, window_bounds = array<i64: 512, 1>}, {transform_indices = @transform_9, window_bounds = array<i64: 512, 1>}, {transform_indices = @transform_10, window_bounds = array<i64: 512, 1>}, {transform_indices = @transform_11, window_bounds = array<i64: 512, 1>}]} {
    %eq3A = arith.constant 0 : i32
    %eq3A_0 = arith.cmpi eq, %arg1, %eq3A : i32
    %convert_element_type3A = arith.extui %eq3A_0 : i1 to i32
    %cond3A = arith.constant 0 : i32
    %cond3A_1 = arith.cmpi ne, %convert_element_type3A, %cond3A : i32
    scf.if %cond3A_1 {
      %broadcast_in_dim3A = arith.constant 0.000000e+00 : f32
      %broadcast_in_dim3A_10 = vector.broadcast %broadcast_in_dim3A : f32 to vector<512x1xf32>
      %swap3A = arith.constant 0 : index
      %swap3A_11 = arith.constant 0 : index
      %swap3A_12 = vector.load %arg14[%swap3A, %swap3A_11] : memref<512x1xf32, #tpu.memory_space<vmem>>, vector<512x1xf32>
      tpu.vector_store %arg14[%swap3A, %swap3A_11], %broadcast_in_dim3A_10 {strides = array<i32>} : memref<512x1xf32, #tpu.memory_space<vmem>>, vector<512x1xf32>,
    } else {
    }
    %le3A = arith.cmpi sle, %arg1, %arg0 : i32
    %convert_element_type3A_2 = arith.extui %le3A : i1 to i32
    %cond3A_3 = arith.constant 0 : i32
    %cond3A_4 = arith.cmpi ne, %convert_element_type3A_2, %cond3A_3 : i32
    scf.if %cond3A_4 {
      %get3A = arith.constant 0 : index
      %get3A_10 = arith.constant 0 : index
      %get3A_11 = vector.load %arg7[%get3A, %get3A_10] : memref<512x1xf32, #tpu.memory_space<vmem>>, vector<512x1xf32>
      %get3A_12 = arith.constant 0 : index
      %get3A_13 = arith.constant 0 : index
      %get3A_14 = vector.load %arg8[%get3A_12, %get3A_13] : memref<512x1xf32, #tpu.memory_space<vmem>>, vector<512x1xf32>
      %get3A_15 = arith.constant 0 : index
      %get3A_16 = arith.constant 0 : index
      %get3A_17 = vector.load %arg9[%get3A_15, %get3A_16] : memref<512x1xf32, #tpu.memory_space<vmem>>, vector<512x1xf32>
      %get3A_18 = arith.constant 0 : index
      %get3A_19 = arith.constant 0 : index
      %get3A_20 = vector.load %arg10[%get3A_18, %get3A_19] : memref<512x1xf32, #tpu.memory_space<vmem>>, vector<512x1xf32>
      %get3A_21 = arith.constant 0 : index
      %get3A_22 = arith.constant 0 : index
      %get3A_23 = vector.load %arg11[%get3A_21, %get3A_22] : memref<512x1xf32, #tpu.memory_space<vmem>>, vector<512x1xf32>
      %get3A_24 = arith.constant 0 : index
      %get3A_25 = arith.constant 0 : index
      %get3A_26 = arith.constant 0 : index
      %get3A_27 = vector.load %arg2[%get3A_24, %get3A_25, %get3A_26] : memref<1x1x512xf32, #tpu.memory_space<vmem>>, vector<1x1x512xf32>
      %get3A_28 = vector.shape_cast %get3A_27 : vector<1x1x512xf32> to vector<1x512xf32>
      %get3A_29 = arith.constant 0 : index
      %get3A_30 = arith.constant 0 : index
      %get3A_31 = arith.constant 0 : index
      %get3A_32 = vector.load %arg3[%get3A_29, %get3A_30, %get3A_31] : memref<1x1x512xf32, #tpu.memory_space<vmem>>, vector<1x1x512xf32>
      %get3A_33 = vector.shape_cast %get3A_32 : vector<1x1x512xf32> to vector<1x512xf32>
      %get3A_34 = arith.constant 0 : index
      %get3A_35 = arith.constant 0 : index
      %get3A_36 = arith.constant 0 : index
      %get3A_37 = vector.load %arg4[%get3A_34, %get3A_35, %get3A_36] : memref<1x1x512xf32, #tpu.memory_space<vmem>>, vector<1x1x512xf32>
      %get3A_38 = vector.shape_cast %get3A_37 : vector<1x1x512xf32> to vector<1x512xf32>
      %get3A_39 = arith.constant 0 : index
      %get3A_40 = arith.constant 0 : index
      %get3A_41 = arith.constant 0 : index
      %get3A_42 = vector.load %arg5[%get3A_39, %get3A_40, %get3A_41] : memref<1x1x512xf32, #tpu.memory_space<vmem>>, vector<1x1x512xf32>
      %get3A_43 = vector.shape_cast %get3A_42 : vector<1x1x512xf32> to vector<1x512xf32>
      %get3A_44 = arith.constant 0 : index
      %get3A_45 = arith.constant 0 : index
      %get3A_46 = arith.constant 0 : index
      %get3A_47 = vector.load %arg6[%get3A_44, %get3A_45, %get3A_46] : memref<1x1x512xf32, #tpu.memory_space<vmem>>, vector<1x1x512xf32>
      %get3A_48 = vector.shape_cast %get3A_47 : vector<1x1x512xf32> to vector<1x512xf32>
      %max3A = vector.broadcast %get3A_11 : vector<512x1xf32> to vector<512x512xf32>
      %max3A_49 = vector.broadcast %get3A_28 : vector<1x512xf32> to vector<512x512xf32>
      %max3A_50 = arith.maximumf %max3A, %max3A_49 : vector<512x512xf32>
      %max3A_51 = vector.broadcast %get3A_14 : vector<512x1xf32> to vector<512x512xf32>
      %max3A_52 = vector.broadcast %get3A_33 : vector<1x512xf32> to vector<512x512xf32>
      %max3A_53 = arith.maximumf %max3A_51, %max3A_52 : vector<512x512xf32>
      %min3A = vector.broadcast %get3A_17 : vector<512x1xf32> to vector<512x512xf32>
      %min3A_54 = vector.broadcast %get3A_38 : vector<1x512xf32> to vector<512x512xf32>
      %min3A_55 = arith.minimumf %min3A, %min3A_54 : vector<512x512xf32>
      %min3A_56 = vector.broadcast %get3A_20 : vector<512x1xf32> to vector<512x512xf32>
      %min3A_57 = vector.broadcast %get3A_43 : vector<1x512xf32> to vector<512x512xf32>
      %min3A_58 = arith.minimumf %min3A_56, %min3A_57 : vector<512x512xf32>
      %sub3A = arith.subf %min3A_55, %max3A_50 : vector<512x512xf32>
      %max3A_59 = arith.constant 0.000000e+00 : f32
      %max3A_60 = vector.broadcast %max3A_59 : f32 to vector<512x512xf32>
      %max3A_61 = arith.maximumf %sub3A, %max3A_60 : vector<512x512xf32>
      %sub3A_62 = arith.subf %min3A_58, %max3A_53 : vector<512x512xf32>
      %max3A_63 = arith.constant 0.000000e+00 : f32
      %max3A_64 = vector.broadcast %max3A_63 : f32 to vector<512x512xf32>
      %max3A_65 = arith.maximumf %sub3A_62, %max3A_64 : vector<512x512xf32>
      %mul3A = arith.mulf %max3A_61, %max3A_65 : vector<512x512xf32>
      %add3A = vector.broadcast %get3A_23 : vector<512x1xf32> to vector<512x512xf32>
      %add3A_66 = vector.broadcast %get3A_48 : vector<1x512xf32> to vector<512x512xf32>
      %add3A_67 = arith.addf %add3A, %add3A_66 : vector<512x512xf32>
      %sub3A_68 = arith.subf %add3A_67, %mul3A : vector<512x512xf32>
      %max3A_69 = arith.constant 9.99999971E-10 : f32
      %max3A_70 = vector.broadcast %max3A_69 : f32 to vector<512x512xf32>
      %max3A_71 = arith.maximumf %sub3A_68, %max3A_70 : vector<512x512xf32>
      %div3A = arith.divf %mul3A, %max3A_71 : vector<512x512xf32>
      %mul3A_72 = arith.constant 512 : i32
      %mul3A_73 = arith.muli %arg0, %mul3A_72 : i32
      %iota3A = tpu.iota {dimensions = array<i32: 0>} : vector<512x1xi32>
      %add3A_74 = vector.broadcast %mul3A_73 : i32 to vector<512x1xi32>
      %add3A_75 = arith.addi %add3A_74, %iota3A : vector<512x1xi32>
      %mul3A_76 = arith.constant 512 : i32
      %mul3A_77 = arith.muli %arg1, %mul3A_76 : i32
      %iota3A_78 = tpu.iota {dimensions = array<i32: 1>} : vector<1x512xi32>
      %add3A_79 = vector.broadcast %mul3A_77 : i32 to vector<1x512xi32>
      %add3A_80 = arith.addi %add3A_79, %iota3A_78 : vector<1x512xi32>
      %lt3A = vector.broadcast %add3A_80 : vector<1x512xi32> to vector<512x512xi32>
      %lt3A_81 = vector.broadcast %add3A_75 : vector<512x1xi32> to vector<512x512xi32>
      %lt3A_82 = arith.cmpi slt, %lt3A, %lt3A_81 : vector<512x512xi32>
      %mul3A_83 = arith.mulf %div3A, %div3A : vector<512x512xf32>
      %jit3A = arith.constant 0.000000e+00 : f32
      %broadcast_in_dim3A = vector.broadcast %jit3A : f32 to vector<512x512xf32>
      %select_n3A = arith.select %lt3A_82, %mul3A_83, %broadcast_in_dim3A : vector<512x512xi1>, vector<512x512xf32>
      %get3A_84 = arith.constant 0 : index
      %get3A_85 = arith.constant 0 : index
      %get3A_86 = vector.load %arg14[%get3A_84, %get3A_85] : memref<512x1xf32, #tpu.memory_space<vmem>>, vector<512x1xf32>
      %reduce_sum3A = arith.constant dense<0.000000e+00> : vector<512xf32>
      %reduce_sum3A_87 = vector.multi_reduction <add>, %select_n3A, %reduce_sum3A [1] : vector<512x512xf32> to vector<512xf32>
      %broadcast_in_dim3A_88 = vector.shape_cast %reduce_sum3A_87 : vector<512xf32> to vector<512x1xf32>
      %add3A_89 = arith.addf %get3A_86, %broadcast_in_dim3A_88 : vector<512x1xf32>
      %swap3A = arith.constant 0 : index
      %swap3A_90 = arith.constant 0 : index
      %swap3A_91 = vector.load %arg14[%swap3A, %swap3A_90] : memref<512x1xf32, #tpu.memory_space<vmem>>, vector<512x1xf32>
      tpu.vector_store %arg14[%swap3A, %swap3A_90], %add3A_89 {strides = array<i32>} : memref<512x1xf32, #tpu.memory_space<vmem>>, vector<512x1xf32>,
    } else {
    }
    %eq3A_5 = arith.constant 9 : i32
    %eq3A_6 = arith.cmpi eq, %arg1, %eq3A_5 : i32
    %convert_element_type3A_7 = arith.extui %eq3A_6 : i1 to i32
    %cond3A_8 = arith.constant 0 : i32
    %cond3A_9 = arith.cmpi ne, %convert_element_type3A_7, %cond3A_8 : i32
    scf.if %cond3A_9 {
      %get3A = arith.constant 0 : index
      %get3A_10 = arith.constant 0 : index
      %get3A_11 = vector.load %arg12[%get3A, %get3A_10] : memref<512x1xf32, #tpu.memory_space<vmem>>, vector<512x1xf32>
      %get3A_12 = arith.constant 0 : index
      %get3A_13 = arith.constant 0 : index
      %get3A_14 = vector.load %arg14[%get3A_12, %get3A_13] : memref<512x1xf32, #tpu.memory_space<vmem>>, vector<512x1xf32>
      %neg3A = arith.constant 0.000000e+00 : f32
      %neg3A_15 = vector.broadcast %neg3A : f32 to vector<512x1xf32>
      %neg3A_16 = arith.subf %neg3A_15, %get3A_14 : vector<512x1xf32>
      %div3A = arith.constant 5.000000e-01 : f32
      %div3A_17 = vector.broadcast %div3A : f32 to vector<512x1xf32>
      %div3A_18 = arith.divf %neg3A_16, %div3A_17 : vector<512x1xf32>
      %exp3A = math.exp %div3A_18 : vector<512x1xf32>
      %mul3A = arith.mulf %get3A_11, %exp3A : vector<512x1xf32>
      %swap3A = arith.constant 0 : index
      %swap3A_19 = arith.constant 0 : index
      %swap3A_20 = vector.load %arg13[%swap3A, %swap3A_19] : memref<512x1xf32, #tpu.memory_space<vmem>>, vector<512x1xf32>
      tpu.vector_store %arg13[%swap3A, %swap3A_19], %mul3A {strides = array<i32>} : memref<512x1xf32, #tpu.memory_space<vmem>>, vector<512x1xf32>,
    } else {
    }
    return
  }
  func.func @transform_0(%arg0: i32, %arg1: i32) -> (i32, i32, i32) {
    %c0_i32 = arith.constant 0 : i32
    %c0_i32_0 = arith.constant 0 : i32
    %c0_i32_1 = arith.constant 0 : i32
    return %arg1, %c0_i32, %c0_i32_0 : i32, i32, i32
  }
  func.func @transform_1(%arg0: i32, %arg1: i32) -> (i32, i32, i32) {
    %c0_i32 = arith.constant 0 : i32
    %c0_i32_0 = arith.constant 0 : i32
    %c0_i32_1 = arith.constant 0 : i32
    return %arg1, %c0_i32, %c0_i32_0 : i32, i32, i32
  }
  func.func @transform_2(%arg0: i32, %arg1: i32) -> (i32, i32, i32) {
    %c0_i32 = arith.constant 0 : i32
    %c0_i32_0 = arith.constant 0 : i32
    %c0_i32_1 = arith.constant 0 : i32
    return %arg1, %c0_i32, %c0_i32_0 : i32, i32, i32
  }
  func.func @transform_3(%arg0: i32, %arg1: i32) -> (i32, i32, i32) {
    %c0_i32 = arith.constant 0 : i32
    %c0_i32_0 = arith.constant 0 : i32
    %c0_i32_1 = arith.constant 0 : i32
    return %arg1, %c0_i32, %c0_i32_0 : i32, i32, i32
  }
  func.func @transform_4(%arg0: i32, %arg1: i32) -> (i32, i32, i32) {
    %c0_i32 = arith.constant 0 : i32
    %c0_i32_0 = arith.constant 0 : i32
    %c0_i32_1 = arith.constant 0 : i32
    return %arg1, %c0_i32, %c0_i32_0 : i32, i32, i32
  }
  func.func @transform_5(%arg0: i32, %arg1: i32) -> (i32, i32) {
    %c0_i32 = arith.constant 0 : i32
    %c0_i32_0 = arith.constant 0 : i32
    return %arg0, %c0_i32 : i32, i32
  }
  func.func @transform_6(%arg0: i32, %arg1: i32) -> (i32, i32) {
    %c0_i32 = arith.constant 0 : i32
    %c0_i32_0 = arith.constant 0 : i32
    return %arg0, %c0_i32 : i32, i32
  }
  func.func @transform_7(%arg0: i32, %arg1: i32) -> (i32, i32) {
    %c0_i32 = arith.constant 0 : i32
    %c0_i32_0 = arith.constant 0 : i32
    return %arg0, %c0_i32 : i32, i32
  }
  func.func @transform_8(%arg0: i32, %arg1: i32) -> (i32, i32) {
    %c0_i32 = arith.constant 0 : i32
    %c0_i32_0 = arith.constant 0 : i32
    return %arg0, %c0_i32 : i32, i32
  }
  func.func @transform_9(%arg0: i32, %arg1: i32) -> (i32, i32) {
    %c0_i32 = arith.constant 0 : i32
    %c0_i32_0 = arith.constant 0 : i32
    return %arg0, %c0_i32 : i32, i32
  }
  func.func @transform_10(%arg0: i32, %arg1: i32) -> (i32, i32) {
    %c0_i32 = arith.constant 0 : i32
    %c0_i32_0 = arith.constant 0 : i32
    return %arg0, %c0_i32 : i32, i32
  }
  func.func @transform_11(%arg0: i32, %arg1: i32) -> (i32, i32) {
    %c0_i32 = arith.constant 0 : i32
    %c0_i32_0 = arith.constant 0 : i32
    return %arg0, %c0_i32 : i32, i32
  }
}

</mosaic_0001>

<sc_bundles>
// kernel: gather_offload_async_start.1
scs
__scs_entry_jumppad:
0x0: {  	(pc) =	sbr.rel $0x88, $3  }
0x1: {  	(tag) =	ssettag $0x0;
	lr =	simm.s32 $0x1  }
0x2: {  	[smem:$0x3F9F] =	sst lr;
	_ =	strace $0xD0000000  }
0x3: {  	_ = 	snop  }
0x4: {  	_ = 	snop  }
0x5: {  	_ = 	snop  }
0x6: {  	_ = 	snop  }
0x7: {  	_ = 	snop  }
__scs_overlays_trampoline_lowered:
0x8: {  	[smem:$0x3FAE] =	sst s0  }
0x9: {  	[smem:$0x3FAF] =	sst s1  }
0xa: {  	[smem:$0x3FB0] =	sst s2  }
0xb: {  	[smem:$0x3FB1] =	sst s3  }
0xc: {  	[smem:$0x3FB2] =	sst s4  }
0xd: {  	[smem:$0x3FB3] =	sst s5  }
0xe: {  	[smem:$0x3FB4] =	sst s6  }
0xf: {  	[smem:$0x3FB5] =	sst s7  }
0x10: {  	[smem:$0x3FB6] =	sst s8  }
0x11: {  	[smem:$0x3FB7] =	sst s9;
	s0 =	simm.s32 @!p0 $0x0  }
0x12: {  	s1 =	sld [smem:$0x3F9D];
	s0 =	simm.s32 @p0 $0x1  }
0x13: {  	[smem:$0x3FB8] =	sst s0;
	s0 =	simm.s32 @!p1 $0x0  }
0x14: {  	s2 =	sld [smem:$0x3F9C];
	s0 =	simm.s32 @p1 $0x1  }
0x15: {  	[smem:$0x3FB9] =	sst s0;
	s0 =	simm.s32 @!p2 $0x0  }
0x16: {  	s3 =	sld [smem:$0x3FDB];
	s0 =	simm.s32 @p2 $0x1  }
0x17: {  	s4 =	simm.s32 $0x1BF5;
	[smem:$0x3FBB] =	sst s0  }
0x18: {  	s0 =	sld [smem:$0x3F9E];
	_ =	swait.ge [sflag:s4], $0x0  }
0x19: {  	s7 =	sld [smem:$0x3F9F]  }
0x1a: {  	s8 =	sadd.s32 $0xFFFFE003, lr  }
0x1b: {  	s9 =	sadd.s32 $0xFFFFFEF7, lr;
	s5 =	simm.s32 $0xFFFFFFFF;
	p2 =	slt.u32 s8, $0xFFFFF086  }
0x1c: {  	p1 =	slt.u32 s9, $0xF7A;
	s5 =	simm.s32 @!p2 $0x0  }
0x1d: {  	s5 =	simm.s32 @p1 $0x1;
	p0 =	seq.s32 s7, s2  }
0x1e: {  	s7 =	smul.u32 @!p0 $0xF7A, s2;
	p2 =	seq.s32 @!p0 s5, $0x0  }
0x1f: {  	s9 =	smul.u32 $0xF7A, s1;
	s8 =	simm.s32 @!p0 $0x1BF5;
	p2 =	por !p2, p0  }
0x20: {  	[sflag:s8] =	ssyncset.s32 @!p0 $0xFFFFF086;
	s6 =	sadd.s32 @!p0 s3, s7;
	s7 =	simm.s32 @!p0 $0x108  }
0x21: {  	s3 =	sadd.s32 s3, s9;
	s6 =	sadd.s32 @!p0 $0x88, s6;
	s7 =	simm.s32 @p2 $0x1082  }
0x22: {  	[simem:s7], [sflag:s8] =	dma.local @!p0 [hbm:s6], $0xF7A  }
0x23: {  	s9 =	sor.u32 $0xD0000000, s2;
	s6 =	simm.s32 $0x108;
	_ =	swait.ge @!p0 [sflag:s8], $0x0  }
0x24: {  	s3 =	sadd.s32 $0x88, s3;
	s6 =	simm.s32 @!p1 $0x1082;
	[sflag:s4] =	ssyncset.s32 $0xFFFFF086  }
0x25: {  	[simem:s6], [sflag:s4] =	dma.local [hbm:s3], $0xF7A  }
0x26: {  	[smem:$0x3F9F] =	sst s1;
	(tag) =	ssettag s2;
	_ =	strace s9  }
0x27: {  	s1 =	sld [smem:$0x3FAF]  }
0x28: {  	s2 =	sld [smem:$0x3FB0]  }
0x29: {  	s4 =	sld [smem:$0x3FB2]  }
0x2a: {  	p0 =	seq.s32 s5, $0x0;
	s5 =	sld [smem:$0x3FB3]  }
0x2b: {  	s6 =	sld [smem:$0x3FB4]  }
0x2c: {  	s7 =	sld [smem:$0x3FB5]  }
0x2d: {  	s3 =	simm.s32 $0x108;
	s8 =	sld [smem:$0x3FB6]  }
0x2e: {  	s3 =	simm.s32 @!p0 $0x1082;
	s9 =	sld [smem:$0x3FB7]  }
0x2f: {  	lr =	sadd.s32 s0, s3;
	s0 =	sld [smem:$0x3FAE]  }
0x30: {  	s3 =	sld [smem:$0x3FB1]  }
0x31: {  	[smem:$0x3FBA] =	sst s10  }
0x32: {  	s10 =	sld [smem:$0x3FB8];
	_ =	sdelay $0x3  }
0x33: {  	p0 =	seq.s32 s10, $0x1;
	s10 =	sld [smem:$0x3FBA];
	_ =	sdelay $0x3  }
0x34: {  	[smem:$0x3FBA] =	sst s10  }
0x35: {  	s10 =	sld [smem:$0x3FB9];
	_ =	sdelay $0x3  }
0x36: {  	p1 =	seq.s32 s10, $0x1;
	s10 =	sld [smem:$0x3FBA];
	_ =	sdelay $0x3  }
0x37: {  	[smem:$0x3FBA] =	sst s10  }
0x38: {  	s10 =	sld [smem:$0x3FBB]  }
0x39: {  	_ = 	snop;
	(pc) =	sbr.ind lr, $3  }
0x3a: {  	_ = 	snop  }
0x3b: {  	_ = 	snop  }
0x3c: {  	p2 =	seq.s32 s10, $0x1;
	s10 =	sld [smem:$0x3FBA]  }
0x3d: {  	_ =	shalt  }
0x3e: {  	_ =	shalt  }
0x3f: {  	_ =	shalt  }
0x40: {  	_ =	shalt  }
0x41: {  	_ =	shalt  }
0x42: {  	_ =	shalt  }
0x43: {  	_ =	shalt  }
0x44: {  	_ =	shalt  }
0x45: {  	_ =	shalt  }
0x46: {  	_ =	shalt  }
0x47: {  	_ =	shalt  }
0x48: {  	_ =	shalt  }
0x49: {  	_ =	shalt  }
0x4a: {  	_ =	shalt  }
0x4b: {  	_ =	shalt  }
0x4c: {  	_ =	shalt  }
0x4d: {  	_ =	shalt  }
0x4e: {  	_ =	shalt  }
0x4f: {  	_ =	shalt  }
0x50: {  	_ =	shalt  }
0x51: {  	_ =	shalt  }
0x52: {  	_ =	shalt  }
0x53: {  	_ =	shalt  }
0x54: {  	_ =	shalt  }
0x55: {  	_ =	shalt  }
0x56: {  	_ =	shalt  }
0x57: {  	_ =	shalt  }
0x58: {  	_ =	shalt  }
0x59: {  	_ =	shalt  }
0x5a: {  	_ =	shalt  }
0x5b: {  	_ =	shalt  }
0x5c: {  	_ =	shalt  }
0x5d: {  	_ =	shalt  }
0x5e: {  	_ =	shalt  }
0x5f: {  	_ =	shalt  }
0x60: {  	_ =	shalt  }
0x61: {  	_ =	shalt  }
0x62: {  	_ =	shalt  }
0x63: {  	_ =	shalt  }
0x64: {  	_ =	shalt  }
0x65: {  	_ =	shalt  }
0x66: {  	_ =	shalt  }
0x67: {  	_ =	shalt  }
0x68: {  	_ =	shalt  }
0x69: {  	_ =	shalt  }
0x6a: {  	_ =	shalt  }
0x6b: {  	_ =	shalt  }
0x6c: {  	_ =	shalt  }
0x6d: {  	_ =	shalt  }
0x6e: {  	_ =	shalt  }
0x6f: {  	_ =	shalt  }
0x70: {  	_ =	shalt  }
0x71: {  	_ =	shalt  }
0x72: {  	_ =	shalt  }
0x73: {  	_ =	shalt  }
0x74: {  	_ =	shalt  }
0x75: {  	_ =	shalt  }
0x76: {  	_ =	shalt  }
0x77: {  	_ =	shalt  }
0x78: {  	_ =	shalt  }
0x79: {  	_ =	shalt  }
0x7a: {  	_ =	shalt  }
0x7b: {  	_ =	shalt  }
0x7c: {  	_ =	shalt  }
0x7d: {  	_ =	shalt  }
0x7e: {  	_ =	shalt  }
0x7f: {  	_ =	shalt  }
0x80: {  	_ =	shalt  }
0x81: {  	_ =	shalt  }
0x82: {  	_ =	shalt  }
0x83: {  	_ =	shalt  }
0x84: {  	_ =	shalt  }
0x85: {  	_ =	shalt  }
0x86: {  	_ =	shalt  }
0x87: {  	_ =	shalt  }
.Lfunc_end0:
.L_simem_size_0:
called_computation.1_lowered:
.L_overlay_start_0:
0x88: {  	s0 =	sld [smem:$0x3FD9]  }
0x89: {  	s1 =	sld [smem:$0x3FFE];
	_ =	sdelay $0x3  }
0x8a: {  	s0 =	sadd.s32 s1, s0  }
0x8b: {  	[smem:$0x3FC6] =	sst s0  }
0x8c: {  	_ = 	snop  }
0x8d: {  	s0 =	sld [smem:$0x3FC8];
	(tm) =	ssettm $0x1  }
0x8e: {  	s16 =	sld [smem:$0x3FFB];
	_ =	sdelay $0x3  }
0x8f: {  	_ =	strace s16  }
0x90: {  	s1 =	sld [smem:$0x3FFC];
	_ =	sdelay $0x3  }
0x91: {  	_ =	strace s1  }
0x92: {  	s1 =	sld [smem:$0x3FFD];
	_ =	sdelay $0x3  }
0x93: {  	_ =	strace s1  }
0x94: {  	_ =	strace $0x8FFFFFFF  }
0x95: {  	s17 =	sld [smem:$0x3FDB];
	_ =	sdelay $0x1  }
0x96: {  	s2 =	simm.s32 $_scs_section_size  }
0x97: {  	s3 =	simm.s32 $_size__tile_overlayer_lowered;
	s4 =	simm.s32 $_tile_overlayer_lowered  }
0x98: {  	s20 =	simm.s32 $0x1BFF;
	s19 =	sshll.u32 s4, $0x1;
	s1 =	sadd.s32 s2, s17  }
0x99: {  	s5 =	simm.s32 $0x0;
	s18 =	sshll.u32 s3, $0x1;
	s3 =	sadd.s32 s19, s1  }
0x9a: {  	[timem:s5], [sflag:s20] =	dma.local [hbm:s3], s18  }
0x9b: {  	_ =	swait.ge [sflag:s20], s18  }
0x9c: {  	s2 =	ssub.s32 $0x0, s18;
	[sflag:s20] =	ssyncset.done $0x0  }
0x9d: {  	[sflag:s20] =	ssyncadd.s32 s2;
	_ =	sdelay $0x1  }
0x9e: {  	s21 =	simm.s32 $0x1B8B  }
0x9f: {  	_ =	swait.ge [sflag:s21], $0x1  }
0xa0: {  	[sflag:s21] =	ssyncset.done $0x0  }
0xa1: {  	s23 =	simm.s32 $0x1B8E;
	s22 =	sld [smem:$0x3FFE];
	[sflag:s21] =	ssyncadd.s32 $0xFFFFFFFF  }
0xa2: {  	s24 =	simm.s32 $execute0_lowered;
	[smem:$0x3FD2] =	sst s23  }
0xa3: {  	s3 =	sshll.u32 s24, $0x1;
	_ =	strace $0x80000046;
	[dreg:$0x1] =	wrdreg $0xFFFFFFFF  }
0xa4: {  	s25 =	simm.s32 $_size_execute0_lowered;
	s1 =	sadd.s32 s1, s3;
	[dreg:$0x0] =	wrdreg $0x0  }
0xa5: {  	s3 =	sshll.u32 s25, $0x1;
	[dreg:$0x2] =	wrdreg s1  }
0xa6: {  	[dreg:$0x3] =	wrdreg s3  }
0xa7: {  	[dreg:$0x4] =	wrdreg $0xC0  }
0xa8: {  	_ =	task [dreg:s5], $0x5FFFF  }
0xa9: {  	[dreg:$0x1] =	wrdreg $0xFFFFFFFF  }
0xaa: {  	[dreg:$0x0] =	wrdreg $0x60  }
0xab: {  	[dreg:$0x2] =	wrdreg s0  }
0xac: {  	[dreg:$0x3] =	wrdreg s22  }
0xad: {  	[dreg:$0x4] =	wrdreg $0xA  }
0xae: {  	_ =	task.clear_ibuf [dreg:s5], $0x5FFFF;
	_ =	strace $0x90000046  }
0xaf: {  	s26 =	simm.s32 $0xA;
	_ =	strace $0x80000048  }
0xb0: {  	_ =	swait.ge [sflag:s26], $0x1  }
0xb1: {  	[sflag:s26] =	ssyncadd.s32 $0xFFFFFFFF  }
0xb2: {  	_ =	strace $0x90000048  }
0xb3: {  	_ =	sfence  }
0xb4: {  	s28 =	sld [smem:$0x0];
	_ =	sdelay $0x1  }
0xb5: {  	s29 =	srdreg.scid  }
0xb6: {  	s30 =	sshll.u32 s29, $0xD;
	s31 =	sshrl.u32 s29, $0x2  }
0xb7: {  	s2 =	sand.u32 $0x4000, s30;
	s1 =	sand.u32 $0x1, s29;
	s0 =	sadd.s32 s31, s28  }
0xb8: {  	s1 =	sor.u32 s2, s1;
	s0 =	sshll.u32 s0, $0x11  }
0xb9: {  	s0 =	sor.u32 s0, s1  }
0xba: {  	s0 =	sadd.s32 $0x8F2B, s0  }
0xbb: {  	[sflag:s0] =	ssyncadd.remote.s32 $0x1  }
0xbc: {  	_ =	sfence.sel $0xFFFF  }
0xbd: {  	[dreg:$0x0] =	wrdreg $0xFFFFFFFF;
	(pc) =	sbr.abs _section_cstart, $3  }
0xbe: {  	[dreg:$0x1] =	wrdreg $0xFFFFFFFF  }
0xbf: {  	_ =	task.clear_ibuf [dreg:s5], $0x2FFFF;
	_ =	strace $0x9FFFFFFF  }
0xc0: {  	(tm) =	ssettm $0x7FFFFFFF  }
0xc1: {  	_ =	shalt  }
tec
execute0_lowered:
.L_overlay_start_1:
0x0: {  	(tag) =	ssettag $0x1  }
0x1: {  	s2 =	rddreg [dreg:$0x0]  }
0x2: {  	s3 =	rddreg [dreg:$0x1]  }
0x3: {  	s0 =	rddreg [dreg:$0x2];
	s1 =	stileid.u32  }
0x4: {  	_ =	strace $0x80000047;
	s6 =	simm.s32 $0x1;
	s8 =	simm.s32 $0x2  }
0x5: {  	s30 =	simm.s32 $0x3;
	s12 =	simm.s32 $0x0;
	s4 =	sshll.u32 s1, $0x4  }
0x6: {  	s9 =	simm.s32 $0x0;
	s10 =	simm.s32 $0x0;
	s7 =	ssub.s32 $0x1380, s4  }
0x7: {  	s5 =	sadd.s32 $0x400, s3;
	[sflag:s6] =	ssyncpa.u1 $0x0;
	s6 =	sshrl.u32 s7, $0x8  }
0x8: {  	[sflag:s8] =	ssyncpa.u1 $0x0;
	s11 =	smov.u32 s4;
	s31 =	sshll.u32 s6, $0x4  }
0x9: {  	[sflag:s30] =	ssyncpa.u1 $0x0;
	s7 =	sadd.s32 $0x2, s6;
	s8 =	sadd.s32 $0x30, s31  }
.LBB2_1:
0xa: {  	p0 =	sgt.u32 s10, s6  }
0xb: {  	s13 =	sxor.u32 @!p0 $0xFFFFFFFF, s9;
	s14 =	sshrl.u32 @!p0 s11, $0x3  }
0xc: {  	s15 =	sand.u32 @!p0 $0x7, s11;
	s13 =	sand.u32 @!p0 $0x10, s13;
	s14 =	sadd.s32 @!p0 s3, s14  }
0xd: {  	[tilespmem:s13], [sflag:$0x2] =	stream.linear.gather @!p0 [hbm4b:s14+s15], $0x10, $0x38;
	[tilespmem:$0x40] =	vst v63  }
0xe: {  	p0 =	seq.s32 s9, $0x0  }
0xf: {  	p1 =	sge.u32 @!p0 s10, s7  }
0x10: {  	p0 =	por p1, p0  }
0x11: {  	s13 =	simm.s32 @!p0 $0x2  }
0x12: {  	_ =	swait.ge @!p0 [sflag:s13], $0x10  }
0x13: {  	[sflag:s13] =	ssyncset.done @!p0 $0x0  }
0x14: {  	[sflag:s13] =	ssyncadd.s32 @!p0 $0xFFFFFFF0;
	s13 =	sand.u32 @!p0 $0x10, s9  }
0x15: {  	(ifvalue) =	ssetifvalue @!p0 $0x7FFFFFFF;
	v0 =	vld.msk @!p0 [tilespmem:s13+$0x0 ss:$0x1], $0xffff;
	_ =	sdelay $0x4  }
0x16: {  	vm0 =	vgt.s32 @!p0 v0, $0x0  }
0x17: {  	v0 =	vnsel @!p0 vm0, $0x0, v0  }
0x18: {  	v0 =	vmin.u32 @!p0 v0, $0x1387;
	_ =	sdelay $0x3  }
0x19: {  	s14 =	simm.s32 @!p0 $0x0;
	s13 =	sor.u32 @!p0 $0x20, s13;
	(ifvalue) =	ssetifvalue @!p0 $0x7FFFFFFF;
	vm0 =	vmmov @!p0 $0xffff  }
0x1a: {  	[tilespmem:s13], [sflag:$0x1] =	stream.indirect_vreg.gather @!p0 [hbm4b:s2+s14], $0x1, v0, vm0, $0x4038;
	[tilespmem:$0x40] =	vst v63  }
0x1b: {  	s14 =	simm.s32 @!p0 $0x1  }
0x1c: {  	_ =	swait.ge @!p0 [sflag:s14], $0x10  }
0x1d: {  	s15 =	sshrl.u32 @!p0 s12, $0x3;
	[sflag:s14] =	ssyncset.done @!p0 $0x0  }
0x1e: {  	s12 =	sand.u32 @!p0 $0x7, s12;
	[sflag:s14] =	ssyncadd.s32 @!p0 $0xFFFFFFF0;
	s14 =	sadd.s32 @!p0 s5, s15  }
0x1f: {  	[hbm4b:s14+s12] =	stream.linear.scatter @!p0 [tilespmem:s13], [sflag:$0x3], $0x10, $0x38;
	[tilespmem:$0x40] =	vst v63  }
0x20: {  	s14 =	sadd.s32 $0x100, s11  }
0x21: {  	s9 =	sadd.s32 $0x10, s9;
	p1 =	sgt.s32 s14, $0x1387  }
0x22: {  	s14 =	smov.u32 @p1 s4;
	p1 =	sne.s32 s8, s9  }
.Ltmp0:
0x23: {  	p0 =	slt.u32 s10, $0x2;
	(pc) =	sbr.rel @p1 .LBB2_1-.Ltmp0, $4  }
0x24: {  	s13 =	simm.s32 @!p0 $0x3  }
0x25: {  	_ =	swait.ge @!p0 [sflag:s13], $0x10  }
0x26: {  	s12 =	smov.u32 s11;
	[sflag:s13] =	ssyncset.done @!p0 $0x0  }
0x27: {  	s10 =	sadd.s32 $0x1, s10;
	s11 =	smov.u32 s14;
	[sflag:s13] =	ssyncadd.s32 @!p0 $0xFFFFFFF0  }
0x28: {  	_ =	sfence.sel $0x180000  }
0x29: {  	s2 =	simm.s32 $0x2;
	[bflag:$0x0] =	sbarrier.arrive $0xFFFF  }
0x2a: {  	s30 =	simm.s32 $0x3;
	[sflag:s2] =	ssyncpa.u1 $0x1  }
0x2b: {  	s31 =	simm.s32 $0x1;
	[sflag:s30] =	ssyncpa.u1 $0x1  }
0x2c: {  	[sflag:s31] =	ssyncpa.u1 $0x1  }
0x2d: {  	p0 =	sne.s32 s1, $0x0;
	_ =	strace $0x90000047  }
0x2e: {  	s0 =	sadd.s32 @!p0 $0x100000, s0;
	[bflag:$0x2] =	sbarrier.arrive $0xFFFF  }
0x2f: {  	[sflag:s0] =	ssyncadd.tile.s32 @!p0 $0x1;
	_ =	shalt  }
.Lfunc_end2:
_tile_overlayer_lowered:
.L_overlay_start_2:
0x30: {  	(tag) =	ssettag $0x2  }
0x31: {  	s0 =	rddreg [dreg:$0x0];
	s2 =	stileid.u32  }
0x32: {  	s1 =	rddreg [dreg:$0x1];
	p0 =	sne.s32 s2, $0x0  }
0x33: {  	s3 =	rddreg [dreg:$0x2];
	[bflag:$0x3] =	sbarrier.arrive $0xFFFF;
	s2 =	simm.s32 @!p0 $0x1C01  }
0x34: {  	[timem:s3], [sflag:s2] =	dma.local @!p0 [hbm:s0], s1  }
0x35: {  	s0 =	simm.s32 @!p0 $0x1  }
0x36: {  	_ =	swait.ge @!p0 [sflag:s0], s1  }
0x37: {  	s1 =	ssub.s32 @!p0 $0x0, s1;
	[sflag:s0] =	ssyncset.done @!p0 $0x0  }
0x38: {  	[sflag:s0] =	ssyncadd.s32 @!p0 s1  }
0x39: {  	[bflag:$0x3] =	sbarrier.arrive $0xFFFF  }
0x3a: {  	_ =	shalt  }

// kernel: gather_offload_async_start
scs
__scs_entry_jumppad:
0x0: {  	(pc) =	sbr.rel $0x88, $3  }
0x1: {  	(tag) =	ssettag $0x0;
	lr =	simm.s32 $0x1  }
0x2: {  	[smem:$0x3F9F] =	sst lr;
	_ =	strace $0xD0000000  }
0x3: {  	_ = 	snop  }
0x4: {  	_ = 	snop  }
0x5: {  	_ = 	snop  }
0x6: {  	_ = 	snop  }
0x7: {  	_ = 	snop  }
__scs_overlays_trampoline_lowered:
0x8: {  	[smem:$0x3FAE] =	sst s0  }
0x9: {  	[smem:$0x3FAF] =	sst s1  }
0xa: {  	[smem:$0x3FB0] =	sst s2  }
0xb: {  	[smem:$0x3FB1] =	sst s3  }
0xc: {  	[smem:$0x3FB2] =	sst s4  }
0xd: {  	[smem:$0x3FB3] =	sst s5  }
0xe: {  	[smem:$0x3FB4] =	sst s6  }
0xf: {  	[smem:$0x3FB5] =	sst s7  }
0x10: {  	[smem:$0x3FB6] =	sst s8  }
0x11: {  	[smem:$0x3FB7] =	sst s9;
	s0 =	simm.s32 @!p0 $0x0  }
0x12: {  	s1 =	sld [smem:$0x3F9D];
	s0 =	simm.s32 @p0 $0x1  }
0x13: {  	[smem:$0x3FB8] =	sst s0;
	s0 =	simm.s32 @!p1 $0x0  }
0x14: {  	s2 =	sld [smem:$0x3F9C];
	s0 =	simm.s32 @p1 $0x1  }
0x15: {  	[smem:$0x3FB9] =	sst s0;
	s0 =	simm.s32 @!p2 $0x0  }
0x16: {  	s3 =	sld [smem:$0x3FDB];
	s0 =	simm.s32 @p2 $0x1  }
0x17: {  	s4 =	simm.s32 $0x1BF5;
	[smem:$0x3FBB] =	sst s0  }
0x18: {  	s0 =	sld [smem:$0x3F9E];
	_ =	swait.ge [sflag:s4], $0x0  }
0x19: {  	s7 =	sld [smem:$0x3F9F]  }
0x1a: {  	s8 =	sadd.s32 $0xFFFFE003, lr  }
0x1b: {  	s9 =	sadd.s32 $0xFFFFFEF7, lr;
	s5 =	simm.s32 $0xFFFFFFFF;
	p2 =	slt.u32 s8, $0xFFFFF086  }
0x1c: {  	p1 =	slt.u32 s9, $0xF7A;
	s5 =	simm.s32 @!p2 $0x0  }
0x1d: {  	s5 =	simm.s32 @p1 $0x1;
	p0 =	seq.s32 s7, s2  }
0x1e: {  	s7 =	smul.u32 @!p0 $0xF7A, s2;
	p2 =	seq.s32 @!p0 s5, $0x0  }
0x1f: {  	s9 =	smul.u32 $0xF7A, s1;
	s8 =	simm.s32 @!p0 $0x1BF5;
	p2 =	por !p2, p0  }
0x20: {  	[sflag:s8] =	ssyncset.s32 @!p0 $0xFFFFF086;
	s6 =	sadd.s32 @!p0 s3, s7;
	s7 =	simm.s32 @!p0 $0x108  }
0x21: {  	s3 =	sadd.s32 s3, s9;
	s6 =	sadd.s32 @!p0 $0x88, s6;
	s7 =	simm.s32 @p2 $0x1082  }
0x22: {  	[simem:s7], [sflag:s8] =	dma.local @!p0 [hbm:s6], $0xF7A  }
0x23: {  	s9 =	sor.u32 $0xD0000000, s2;
	s6 =	simm.s32 $0x108;
	_ =	swait.ge @!p0 [sflag:s8], $0x0  }
0x24: {  	s3 =	sadd.s32 $0x88, s3;
	s6 =	simm.s32 @!p1 $0x1082;
	[sflag:s4] =	ssyncset.s32 $0xFFFFF086  }
0x25: {  	[simem:s6], [sflag:s4] =	dma.local [hbm:s3], $0xF7A  }
0x26: {  	[smem:$0x3F9F] =	sst s1;
	(tag) =	ssettag s2;
	_ =	strace s9  }
0x27: {  	s1 =	sld [smem:$0x3FAF]  }
0x28: {  	s2 =	sld [smem:$0x3FB0]  }
0x29: {  	s4 =	sld [smem:$0x3FB2]  }
0x2a: {  	p0 =	seq.s32 s5, $0x0;
	s5 =	sld [smem:$0x3FB3]  }
0x2b: {  	s6 =	sld [smem:$0x3FB4]  }
0x2c: {  	s7 =	sld [smem:$0x3FB5]  }
0x2d: {  	s3 =	simm.s32 $0x108;
	s8 =	sld [smem:$0x3FB6]  }
0x2e: {  	s3 =	simm.s32 @!p0 $0x1082;
	s9 =	sld [smem:$0x3FB7]  }
0x2f: {  	lr =	sadd.s32 s0, s3;
	s0 =	sld [smem:$0x3FAE]  }
0x30: {  	s3 =	sld [smem:$0x3FB1]  }
0x31: {  	[smem:$0x3FBA] =	sst s10  }
0x32: {  	s10 =	sld [smem:$0x3FB8];
	_ =	sdelay $0x3  }
0x33: {  	p0 =	seq.s32 s10, $0x1;
	s10 =	sld [smem:$0x3FBA];
	_ =	sdelay $0x3  }
0x34: {  	[smem:$0x3FBA] =	sst s10  }
0x35: {  	s10 =	sld [smem:$0x3FB9];
	_ =	sdelay $0x3  }
0x36: {  	p1 =	seq.s32 s10, $0x1;
	s10 =	sld [smem:$0x3FBA];
	_ =	sdelay $0x3  }
0x37: {  	[smem:$0x3FBA] =	sst s10  }
0x38: {  	s10 =	sld [smem:$0x3FBB]  }
0x39: {  	_ = 	snop;
	(pc) =	sbr.ind lr, $3  }
0x3a: {  	_ = 	snop  }
0x3b: {  	_ = 	snop  }
0x3c: {  	p2 =	seq.s32 s10, $0x1;
	s10 =	sld [smem:$0x3FBA]  }
0x3d: {  	_ =	shalt  }
0x3e: {  	_ =	shalt  }
0x3f: {  	_ =	shalt  }
0x40: {  	_ =	shalt  }
0x41: {  	_ =	shalt  }
0x42: {  	_ =	shalt  }
0x43: {  	_ =	shalt  }
0x44: {  	_ =	shalt  }
0x45: {  	_ =	shalt  }
0x46: {  	_ =	shalt  }
0x47: {  	_ =	shalt  }
0x48: {  	_ =	shalt  }
0x49: {  	_ =	shalt  }
0x4a: {  	_ =	shalt  }
0x4b: {  	_ =	shalt  }
0x4c: {  	_ =	shalt  }
0x4d: {  	_ =	shalt  }
0x4e: {  	_ =	shalt  }
0x4f: {  	_ =	shalt  }
0x50: {  	_ =	shalt  }
0x51: {  	_ =	shalt  }
0x52: {  	_ =	shalt  }
0x53: {  	_ =	shalt  }
0x54: {  	_ =	shalt  }
0x55: {  	_ =	shalt  }
0x56: {  	_ =	shalt  }
0x57: {  	_ =	shalt  }
0x58: {  	_ =	shalt  }
0x59: {  	_ =	shalt  }
0x5a: {  	_ =	shalt  }
0x5b: {  	_ =	shalt  }
0x5c: {  	_ =	shalt  }
0x5d: {  	_ =	shalt  }
0x5e: {  	_ =	shalt  }
0x5f: {  	_ =	shalt  }
0x60: {  	_ =	shalt  }
0x61: {  	_ =	shalt  }
0x62: {  	_ =	shalt  }
0x63: {  	_ =	shalt  }
0x64: {  	_ =	shalt  }
0x65: {  	_ =	shalt  }
0x66: {  	_ =	shalt  }
0x67: {  	_ =	shalt  }
0x68: {  	_ =	shalt  }
0x69: {  	_ =	shalt  }
0x6a: {  	_ =	shalt  }
0x6b: {  	_ =	shalt  }
0x6c: {  	_ =	shalt  }
0x6d: {  	_ =	shalt  }
0x6e: {  	_ =	shalt  }
0x6f: {  	_ =	shalt  }
0x70: {  	_ =	shalt  }
0x71: {  	_ =	shalt  }
0x72: {  	_ =	shalt  }
0x73: {  	_ =	shalt  }
0x74: {  	_ =	shalt  }
0x75: {  	_ =	shalt  }
0x76: {  	_ =	shalt  }
0x77: {  	_ =	shalt  }
0x78: {  	_ =	shalt  }
0x79: {  	_ =	shalt  }
0x7a: {  	_ =	shalt  }
0x7b: {  	_ =	shalt  }
0x7c: {  	_ =	shalt  }
0x7d: {  	_ =	shalt  }
0x7e: {  	_ =	shalt  }
0x7f: {  	_ =	shalt  }
0x80: {  	_ =	shalt  }
0x81: {  	_ =	shalt  }
0x82: {  	_ =	shalt  }
0x83: {  	_ =	shalt  }
0x84: {  	_ =	shalt  }
0x85: {  	_ =	shalt  }
0x86: {  	_ =	shalt  }
0x87: {  	_ =	shalt  }
.Lfunc_end0:
.L_simem_size_0:
called_computation_lowered:
.L_overlay_start_0:
0x88: {  	s0 =	sld [smem:$0x3FD9]  }
0x89: {  	s1 =	sld [smem:$0x3FFE];
	_ =	sdelay $0x3  }
0x8a: {  	s0 =	sadd.s32 s1, s0  }
0x8b: {  	[smem:$0x3FC6] =	sst s0  }
0x8c: {  	_ = 	snop  }
0x8d: {  	(tm) =	ssettm $0x1  }
0x8e: {  	s15 =	sld [smem:$0x3FFB];
	_ =	sdelay $0x3  }
0x8f: {  	_ =	strace s15  }
0x90: {  	s0 =	sld [smem:$0x3FFC];
	_ =	sdelay $0x3  }
0x91: {  	_ =	strace s0  }
0x92: {  	s0 =	sld [smem:$0x3FFD];
	_ =	sdelay $0x3  }
0x93: {  	_ =	strace s0  }
0x94: {  	_ =	strace $0x8FFFFFFF  }
0x95: {  	s16 =	sld [smem:$0x3FDB];
	_ =	sdelay $0x1  }
0x96: {  	s17 =	simm.s32 $_scs_section_size  }
0x97: {  	s2 =	simm.s32 $_size__tile_overlayer_lowered;
	s3 =	simm.s32 $_tile_overlayer_lowered  }
0x98: {  	s20 =	simm.s32 $0x1BFF;
	s19 =	sshll.u32 s3, $0x1;
	s0 =	sadd.s32 s17, s16  }
0x99: {  	s4 =	simm.s32 $0x0;
	s18 =	sshll.u32 s2, $0x1;
	s2 =	sadd.s32 s19, s0  }
0x9a: {  	[timem:s4], [sflag:s20] =	dma.local [hbm:s2], s18  }
0x9b: {  	_ =	swait.ge [sflag:s20], s18  }
0x9c: {  	s1 =	ssub.s32 $0x0, s18;
	[sflag:s20] =	ssyncset.done $0x0  }
0x9d: {  	[sflag:s20] =	ssyncadd.s32 s1;
	_ =	sdelay $0x1  }
0x9e: {  	s21 =	simm.s32 $0x1B8B  }
0x9f: {  	_ =	swait.ge [sflag:s21], $0x1  }
0xa0: {  	[sflag:s21] =	ssyncset.done $0x0  }
0xa1: {  	s23 =	simm.s32 $0x1B8E;
	s22 =	sld [smem:$0x3FFE];
	[sflag:s21] =	ssyncadd.s32 $0xFFFFFFFF  }
0xa2: {  	s24 =	simm.s32 $execute0_lowered;
	[smem:$0x3FD2] =	sst s23  }
0xa3: {  	s2 =	sshll.u32 s24, $0x1;
	_ =	strace $0x80000049;
	[dreg:$0x1] =	wrdreg $0xFFFFFFFF  }
0xa4: {  	s25 =	simm.s32 $_size_execute0_lowered;
	s0 =	sadd.s32 s0, s2;
	[dreg:$0x0] =	wrdreg $0x0  }
0xa5: {  	s2 =	sshll.u32 s25, $0x1;
	[dreg:$0x2] =	wrdreg s0  }
0xa6: {  	[dreg:$0x3] =	wrdreg s2  }
0xa7: {  	[dreg:$0x4] =	wrdreg $0xC0  }
0xa8: {  	_ =	task [dreg:s4], $0x5FFFF  }
0xa9: {  	[dreg:$0x1] =	wrdreg $0xFFFFFFFF  }
0xaa: {  	[dreg:$0x0] =	wrdreg $0x60  }
0xab: {  	[dreg:$0x2] =	wrdreg s22  }
0xac: {  	[dreg:$0x3] =	wrdreg $0x9  }
0xad: {  	_ =	task.clear_ibuf [dreg:s4], $0x4FFFF;
	_ =	strace $0x90000049  }
0xae: {  	s26 =	simm.s32 $0x9;
	_ =	strace $0x8000004B  }
0xaf: {  	_ =	swait.ge [sflag:s26], $0x1  }
0xb0: {  	[sflag:s26] =	ssyncadd.s32 $0xFFFFFFFF  }
0xb1: {  	_ =	strace $0x9000004B  }
0xb2: {  	_ =	sfence  }
0xb3: {  	s28 =	sld [smem:$0x0];
	_ =	sdelay $0x1  }
0xb4: {  	s29 =	srdreg.scid  }
0xb5: {  	s30 =	sshll.u32 s29, $0xD;
	s31 =	sshrl.u32 s29, $0x2  }
0xb6: {  	s1 =	sand.u32 $0x1, s29;
	s2 =	sand.u32 $0x4000, s30;
	s0 =	sadd.s32 s31, s28  }
0xb7: {  	s1 =	sor.u32 s2, s1;
	s0 =	sshll.u32 s0, $0x11  }
0xb8: {  	s0 =	sor.u32 s0, s1  }
0xb9: {  	s0 =	sadd.s32 $0x8F2B, s0  }
0xba: {  	[sflag:s0] =	ssyncadd.remote.s32 $0x1  }
0xbb: {  	_ =	sfence.sel $0xFFFF  }
0xbc: {  	[dreg:$0x0] =	wrdreg $0xFFFFFFFF;
	(pc) =	sbr.abs _section_cstart, $3  }
0xbd: {  	[dreg:$0x1] =	wrdreg $0xFFFFFFFF  }
0xbe: {  	_ =	task.clear_ibuf [dreg:s4], $0x2FFFF;
	_ =	strace $0x9FFFFFFF  }
0xbf: {  	(tm) =	ssettm $0x7FFFFFFF  }
tec
execute0_lowered:
.L_overlay_start_1:
0x0: {  	(tag) =	ssettag $0x1  }
0x1: {  	s0 =	stileid.u32  }
0x2: {  	s1 =	smin.u32 s0, $0x9  }
0x3: {  	s1 =	sadd.s32 s0, s1  }
0x4: {  	s2 =	simm.s32 $0x190;
	p0 =	slt.u32 s0, $0x9;
	s1 =	smul.u32 $0xC8, s1  }
0x5: {  	s2 =	simm.s32 @!p0 $0xC8  }
0x6: {  	s2 =	sadd.s32 s2, s1  }
0x7: {  	s3 =	smin.u32 s2, $0x1388  }
0x8: {  	s7 =	ssub.s32 s3, s1  }
0x9: {  	p0 =	sgt.s32 s7, $0x0  }
0xa: {  	s7 =	simm.s32 @!p0 $0x0  }
0xb: {  	s31 =	sand.u32 $0xFFF8, s7  }
0xc: {  	s2 =	sshrl.u32 s31, $0x3  }
0xd: {  	s2 =	smul.u32 $0x147B, s2  }
0xe: {  	s4 =	rddreg [dreg:$0x0];
	s6 =	simm.s32 $0x1  }
0xf: {  	s10 =	simm.s32 $0x3;
	s13 =	simm.s32 $0x0;
	s8 =	sshrl.u32 s2, $0x11  }
0x10: {  	s12 =	simm.s32 $0x0;
	s5 =	sadd.s32 $0x800, s4;
	s9 =	smul.u32 $0xC8, s8  }
.Ltmp0:
0x11: {  	s11 =	smov.u32 s1;
	s2 =	rddreg [dreg:$0x1];
	(pc) =	sbr.rel .LBB2_1-.Ltmp0, $4  }
0x12: {  	_ =	strace $0x8000004A;
	p0 =	sne.s32 s7, s9;
	s9 =	simm.s32 $0x1  }
0x13: {  	[sflag:s6] =	ssyncpa.u1 $0x0;
	s7 =	simm.s32 $0x2;
	s9 =	simm.s32 @!p0 $0x0  }
0x14: {  	[sflag:s7] =	ssyncpa.u1 $0x0;
	p0 =	por $0x0, $0x0;
	s8 =	sadd.s32 s8, s9  }
0x15: {  	vm0 =	vmmov $0xff;
	vm1 =	vcmask $0x3F20;
	s9 =	sadd.s32 $0x14200, s4;
	[sflag:s10] =	ssyncpa.u1 $0x0;
	s10 =	sadd.s32 $0x1, s8  }
.LBB2_6:
0x16: {  	[hbm:s17] =	stream.linear.scatter [tilespmem:s14], [sflag:$0x3], $0x400, $0x38;
	[tilespmem:$0xC990] =	vst v63  }
.LBB2_7:
0x17: {  	s13 =	sadd.s32 $0xC8, s11  }
0x18: {  	s15 =	smov.u32 s1;
	p2 =	slt.s32 s13, s3  }
0x19: {  	s15 =	smov.u32 @p2 s13;
	p2 =	sne.s32 s12, s10  }
.Ltmp1:
0x1a: {  	p1 =	slt.u32 s12, $0x2;
	(pc) =	sbr.rel @!p2 .LBB2_8-.Ltmp1, $4  }
0x1b: {  	s14 =	simm.s32 @!p1 $0x3  }
0x1c: {  	s16 =	sadd.s32 $0x1, s12;
	_ =	swait.ge @!p1 [sflag:s14], $0x6400  }
0x1d: {  	p0 =	por !p0, !p0;
	s13 =	smov.u32 s11;
	[sflag:s14] =	ssyncset.done @!p1 $0x0  }
0x1e: {  	s12 =	smov.u32 s16;
	s11 =	smov.u32 s15;
	[sflag:s14] =	ssyncadd.s32 @!p1 $0xFFFF9C00  }
.LBB2_1:
0x1f: {  	p1 =	sge.u32 s12, s8  }
0x20: {  	s14 =	sxor.u32 @!p1 $0xFFFFFFFF, s12  }
0x21: {  	s14 =	sand.u32 @!p1 $0x1, s14  }
0x22: {  	s14 =	smul.u32 @!p1 $0x320, s14  }
0x23: {  	s31 =	sadd.s32 $0xFFFFFFFF, s12;
	s15 =	sshrl.u32 @!p1 s11, $0x3  }
0x24: {  	s16 =	sand.u32 @!p1 $0x7, s11;
	s15 =	sadd.s32 @!p1 s4, s15;
	s14 =	sshrl.u32 @!p1 s14, $0x2  }
0x25: {  	[tilespmem:s14], [sflag:$0x2] =	stream.linear.gather @!p1 [hbm4b:s15+s16], $0xC8, $0x38;
	[tilespmem:$0xC990] =	vst v63  }
0x26: {  	p1 =	sge.u32 s31, s8  }
.Ltmp2:
0x27: {  	_ = 	snop;
	(pc) =	sbr.rel @p1 .LBB2_7-.Ltmp2, $1  }
0x28: {  	_ =	sdelay $0x3  }
0x29: {  	s14 =	simm.s32 $0x1  }
0x2a: {  	s14 =	simm.s32 @!p0 $0x0  }
0x2b: {  	s15 =	smul.u32 $0x320, s14  }
0x2c: {  	_ =	swait.ge [sflag:s7], $0xC8  }
0x2d: {  	[sflag:s7] =	ssyncset.done $0x0;
	s16 =	sshrl.u32 s15, $0x2  }
0x2e: {  	[sflag:s7] =	ssyncadd.s32 $0xFFFFFF38;
	s15 =	sadd.s32 $0x0, s16  }
0x2f: {  	v0 =	vld.msk [tilespmem:s15+$0x0 ss:$0x1], $0xffff;
	_ =	sdelay $0x4  }
0x30: {  	vm2 =	vgt.s32 v0, $0x0  }
0x31: {  	v0 =	vnsel vm2, $0x0, v0  }
0x32: {  	v0 =	vmin.u32 v0, $0x1387  }
0x33: {  	v0 =	vshll.u32 v0, $0x4  }
0x34: {  	s14 =	smul.u32 $0x19000, s14  }
0x35: {  	s31 =	sand.u32 $0x1, s12  }
0x36: {  	s17 =	smul.u32 $0x320, s31;
	s14 =	sshrl.u32 s14, $0x2  }
0x37: {  	s19 =	smul.u32 $0x19000, s31;
	s14 =	sor.u32 $0x190, s14  }
0x38: {  	[tilespmem:s14], [sflag:$0x1] =	stream.indirect_vreg.gather [hbm:s5], $0x80, v0, vm0, $0x38;
	[tilespmem:$0xC990] =	vst v63  }
0x39: {  	s18 =	sshrl.u32 s17, $0x2;
	s20 =	sadd.s32 $0x10, s16;
	s15 =	sadd.s32 $0x400, s14  }
0x3a: {  	[tilespmem:s15], [sflag:$0x1] =	stream.indirect_vreg.gather [hbm:s5], $0x80, v0, vm1, $0x38;
	[tilespmem:$0xC990] =	vst v63  }
0x3b: {  	s17 =	sshrl.u32 s19, $0x2;
	s19 =	smov.u32 s14;
	v0 =	vld.msk [tilespmem:s20+$0x0 ss:$0x1], $0xffff;
	s20 =	simm.s32 $0x80  }
.LBB2_3:
0x3c: {  	p1 =	sne.s32 s20, $0x2C0;
	_ =	sdelay $0x4  }
0x3d: {  	vm2 =	vgt.s32 v0, $0x0  }
0x3e: {  	v0 =	vnsel vm2, $0x0, v0  }
0x3f: {  	v0 =	vmin.u32 v0, $0x1387  }
0x40: {  	v0 =	vshll.u32 v0, $0x4;
	_ =	sdelay $0x3  }
.Ltmp3:
0x41: {  	s21 =	sshra.s32 s20, $0x2;
	s19 =	sadd.s32 $0x800, s19;
	(pc) =	sbr.rel @p1 .LBB2_3-.Ltmp3, $4  }
0x42: {  	[tilespmem:s19], [sflag:$0x1] =	stream.indirect_vreg.gather [hbm:s5], $0x80, v0, vm0, $0x38;
	[tilespmem:$0xC990] =	vst v63  }
0x43: {  	s21 =	sadd.s32 s21, s16;
	s22 =	sadd.s32 $0x400, s19  }
0x44: {  	[tilespmem:s22], [sflag:$0x1] =	stream.indirect_vreg.gather [hbm:s5], $0x80, v0, vm1, $0x38;
	[tilespmem:$0xC990] =	vst v63  }
0x45: {  	s20 =	sadd.s32 $0x40, s20;
	v0 =	vld.msk [tilespmem:s21+$0x0 ss:$0x1], $0xffff  }
0x46: {  	_ =	sdelay $0x3  }
0x47: {  	vm2 =	vgt.s32 v0, $0x0  }
0x48: {  	v0 =	vnsel vm2, $0x0, v0  }
0x49: {  	v0 =	vmin.u32 v0, $0x1387  }
0x4a: {  	v0 =	vshll.u32 v0, $0x4;
	_ =	sdelay $0x3  }
0x4b: {  	s16 =	sadd.s32 $0x800, s19  }
0x4c: {  	[tilespmem:s16], [sflag:$0x1] =	stream.indirect_vreg.gather [hbm:s5], $0x80, v0, vm0, $0x38;
	[tilespmem:$0xC990] =	vst v63  }
0x4d: {  	s16 =	sadd.s32 $0x400, s16  }
0x4e: {  	[tilespmem:s16], [sflag:$0x1] =	stream.indirect_vreg.gather [hbm:s5], $0x80, v0, vm1, $0x38;
	[tilespmem:$0xC990] =	vst v63  }
0x4f: {  	v0 =	vld.msk [tilespmem:s18+$0xC0 ss:$0x1], $0xff;
	_ =	sdelay $0x4  }
0x50: {  	vm2 =	vgt.s32 v0, $0x0  }
0x51: {  	v0 =	vnsel vm2, $0x0, v0  }
0x52: {  	v0 =	vmin.u32 v0, $0x1387  }
0x53: {  	v0 =	vshll.u32 v0, $0x4;
	_ =	sdelay $0x3  }
0x54: {  	s31 =	sadd.s32 $0x6190, s17  }
0x55: {  	[tilespmem:s31], [sflag:$0x1] =	stream.indirect_vreg.gather [hbm:s5], $0x80, v0, vm0, $0x38;
	[tilespmem:$0xC990] =	vst v63  }
0x56: {  	s13 =	sshll.u32 s13, $0x4;
	_ =	swait.ge [sflag:s6], $0x6400  }
0x57: {  	s13 =	sadd.s32 s13, s9;
	[sflag:s6] =	ssyncset.done $0x0  }
0x58: {  	s17 =	sadd.s32 $0x0, s13;
	s16 =	simm.s32 $0x80;
	[sflag:s6] =	ssyncadd.s32 $0xFFFF9C00  }
.LBB2_5:
0x59: {  	[hbm:s17] =	stream.linear.scatter [tilespmem:s14], [sflag:$0x3], $0x400, $0x38;
	[tilespmem:$0xC990] =	vst v63  }
0x5a: {  	s17 =	smov.u32 s16;
	s14 =	smov.u32 s15;
	p1 =	sne.s32 s16, $0xC00  }
.Ltmp4:
0x5b: {  	s16 =	sadd.s32 $0x80, s16;
	(pc) =	sbr.rel @p1 .LBB2_5-.Ltmp4, $2  }
0x5c: {  	_ =	sdelay $0x2  }
0x5d: {  	s15 =	sadd.s32 $0x400, s15;
	s17 =	sadd.s32 s17, s13  }
.Ltmp5:
0x5e: {  	_ = 	snop;
	(pc) =	sbr.rel .LBB2_6-.Ltmp5, $1  }
0x5f: {  	_ =	sdelay $0x3  }
.LBB2_8:
0x60: {  	_ =	sfence.sel $0x180000  }
0x61: {  	s1 =	simm.s32 $0x2;
	[bflag:$0x0] =	sbarrier.arrive $0xFFFF  }
0x62: {  	s30 =	simm.s32 $0x3;
	[sflag:s1] =	ssyncpa.u1 $0x1  }
0x63: {  	s31 =	simm.s32 $0x1;
	[sflag:s30] =	ssyncpa.u1 $0x1  }
0x64: {  	[sflag:s31] =	ssyncpa.u1 $0x1  }
0x65: {  	p0 =	sne.s32 s0, $0x0;
	_ =	strace $0x9000004A  }
0x66: {  	s0 =	sadd.s32 @!p0 $0x100000, s2;
	[bflag:$0x2] =	sbarrier.arrive $0xFFFF  }
0x67: {  	[sflag:s0] =	ssyncadd.tile.s32 @!p0 $0x1;
	_ =	shalt  }
.Lfunc_end2:
_tile_overlayer_lowered:
.L_overlay_start_2:
0x68: {  	(tag) =	ssettag $0x2  }
0x69: {  	s0 =	rddreg [dreg:$0x0];
	s2 =	stileid.u32  }
0x6a: {  	s1 =	rddreg [dreg:$0x1];
	p0 =	sne.s32 s2, $0x0  }
0x6b: {  	s3 =	rddreg [dreg:$0x2];
	[bflag:$0x3] =	sbarrier.arrive $0xFFFF;
	s2 =	simm.s32 @!p0 $0x1C01  }
0x6c: {  	[timem:s3], [sflag:s2] =	dma.local @!p0 [hbm:s0], s1  }
0x6d: {  	s0 =	simm.s32 @!p0 $0x1  }
0x6e: {  	_ =	swait.ge @!p0 [sflag:s0], s1  }
0x6f: {  	s1 =	ssub.s32 @!p0 $0x0, s1;
	[sflag:s0] =	ssyncset.done @!p0 $0x0  }
0x70: {  	[sflag:s0] =	ssyncadd.s32 @!p0 s1  }
0x71: {  	[bflag:$0x3] =	sbarrier.arrive $0xFFFF  }
0x72: {  	_ =	shalt  }

</sc_bundles>
